<compile_context>
chip_gen: v7x
topology: tpu7x:2x2x1
jax: 0.10.2.dev20260603
libtpu: 0.0.44.dev20260713+nightly
codegen_flags: <defaults>
</compile_context>

<pallas_src>
import functools

import jax
import jax.numpy as jnp
from jax import lax
from jax.experimental import pallas as pl
from jax.experimental.pallas import tpu as pltpu
from jax.experimental.pallas import tpu_sc as plsc

VOCAB = 100000
EMBD = 64
HIDDEN = 128
B = 1024
L = 20

NC = 2
NS = 16
NW = NC * NS
BPW = B // NW
IPW = BPW * L
ICH = 128
NCH = IPW // ICH

VT = 2048
NT = (VOCAB + VT - 1) // VT
LANES = 128


def _sc_gather_mean(idx_flat, emb):

    @functools.partial(
        pl.kernel,
        out_type=jax.ShapeDtypeStruct((B, EMBD), jnp.float32),
        mesh=plsc.VectorSubcoreMesh(
            core_axis_name="c", subcore_axis_name="s",
            num_cores=NC, num_subcores=NS),
        scratch_types=[
            pltpu.VMEM((IPW,), jnp.int32),
            pltpu.VMEM((IPW, EMBD), jnp.float32),
            pltpu.VMEM((BPW, EMBD), jnp.float32),
            pltpu.SemaphoreType.DMA,
        ],
        compiler_params=pltpu.CompilerParams(use_tc_tiling_on_sc=False),
    )
    def k(idx_hbm, emb_hbm, out_hbm, idx_v, rows_v, out_v, sem):
        wid = lax.axis_index("s") * NC + lax.axis_index("c")
        pltpu.sync_copy(idx_hbm.at[pl.ds(wid * IPW, IPW)], idx_v)
        copies = []
        for ch in range(NCH):
            copies.append(pltpu.async_copy(
                emb_hbm.at[idx_v.at[pl.ds(ch * ICH, ICH)]],
                rows_v.at[pl.ds(ch * ICH, ICH)],
                sem))
        for c in copies:
            c.wait()

        inv_l = jnp.float32(1.0 / L)

        def pool_row(r, carry):
            base = r * L

            def add_l(l, acc):
                row = base + l
                return tuple(
                    acc[c] + rows_v[row, pl.ds(c * 16, 16)]
                    for c in range(EMBD // 16))

            acc0 = tuple(jnp.zeros((16,), jnp.float32)
                         for _ in range(EMBD // 16))
            acc = lax.fori_loop(0, L, add_l, acc0)
            for c in range(EMBD // 16):
                out_v[r, pl.ds(c * 16, 16)] = acc[c] * inv_l
            return carry

        lax.fori_loop(0, BPW, pool_row, 0)
        pltpu.sync_copy(out_v, out_hbm.at[pl.ds(wid * BPW, BPW)])

    return k(idx_flat, emb)


def _stats_body(pooled_ref, w1_ref, b1_ref, w2_ref, b2_ref,
                hid_ref, shift_ref, m_scr, s_scr):
    j = pl.program_id(0)

    @pl.when(j == 0)
    def _init():
        hid = lax.dot_general(
            pooled_ref[...], w1_ref[...],
            (((1,), (1,)), ((), ())),
            preferred_element_type=jnp.float32) + b1_ref[...]
        hid_ref[...] = hid
        m_scr[...] = jnp.full((B, LANES), -jnp.inf, jnp.bfloat16)
        s_scr[...] = jnp.zeros((B, LANES), jnp.bfloat16)

    hid_bf = hid_ref[...].astype(jnp.bfloat16)
    logits = lax.dot_general(
        hid_bf, w2_ref[...].astype(jnp.bfloat16),
        (((1,), (1,)), ((), ())),
        preferred_element_type=jnp.float32).astype(jnp.bfloat16) + b2_ref[...].astype(jnp.bfloat16)
    col = j * VT + lax.broadcasted_iota(jnp.int32, (1, VT), 1)
    neg_inf = jnp.array(-jnp.inf, jnp.bfloat16)
    logits = jnp.where(col < VOCAB, logits, neg_inf)

    m_old = m_scr[...]
    m_new = m_old
    for g in range(VT // LANES):
        m_new = jnp.maximum(m_new, logits[:, g * LANES:(g + 1) * LANES])
    s = s_scr[...] * jnp.exp(m_old - m_new)
    for g in range(VT // LANES):
        s = s + jnp.exp(logits[:, g * LANES:(g + 1) * LANES] - m_new)
    s_scr[...] = s
    m_scr[...] = m_new

    @pl.when(j == NT - 1)
    def _finish():
        m = m_scr[...].astype(jnp.float32)
        s = s_scr[...].astype(jnp.float32)
        row_max = jnp.max(m, axis=1, keepdims=True)
        row_sum = jnp.sum(s * jnp.exp(m - row_max), axis=1, keepdims=True)
        shift_ref[...] = row_max + jnp.log(row_sum)


def _out_body(hid_ref, w2_ref, b2_ref, shift_ref, out_ref):
    hid_bf = hid_ref[...].astype(jnp.bfloat16)
    logits = lax.dot_general(
        hid_bf, w2_ref[...].astype(jnp.bfloat16),
        (((1,), (1,)), ((), ())),
        preferred_element_type=jnp.float32) + b2_ref[...]
    out_ref[...] = logits - shift_ref[...]


def kernel(inputs, emb, W1, b1, W2, b2):
    idx_flat = inputs.astype(jnp.int32).reshape(B * L)
    pooled = _sc_gather_mean(idx_flat, emb)

    b1r = b1.reshape(1, HIDDEN)
    b2r = b2.reshape(1, VOCAB)

    hid, shift = pl.pallas_call(
        _stats_body,
        grid=(NT,),
        in_specs=[
            pl.BlockSpec((B, EMBD), lambda j: (0, 0)),
            pl.BlockSpec((HIDDEN, EMBD), lambda j: (0, 0)),
            pl.BlockSpec((1, HIDDEN), lambda j: (0, 0)),
            pl.BlockSpec((VT, HIDDEN), lambda j: (j, 0)),
            pl.BlockSpec((1, VT), lambda j: (0, j)),
        ],
        out_specs=[
            pl.BlockSpec((B, HIDDEN), lambda j: (0, 0)),
            pl.BlockSpec((B, 1), lambda j: (0, 0)),
        ],
        out_shape=[
            jax.ShapeDtypeStruct((B, HIDDEN), jnp.float32),
            jax.ShapeDtypeStruct((B, 1), jnp.float32),
        ],
        scratch_shapes=[
            pltpu.VMEM((B, LANES), jnp.bfloat16),
            pltpu.VMEM((B, LANES), jnp.bfloat16),
        ],
    )(pooled, W1, b1r, W2, b2r)

    out = pl.pallas_call(
        _out_body,
        grid=(NT,),
        in_specs=[
            pl.BlockSpec((B, HIDDEN), lambda j: (0, 0)),
            pl.BlockSpec((VT, HIDDEN), lambda j: (j, 0)),
            pl.BlockSpec((1, VT), lambda j: (0, j)),
            pl.BlockSpec((B, 1), lambda j: (0, 0)),
        ],
        out_specs=pl.BlockSpec((B, VT), lambda j: (0, j)),
        out_shape=jax.ShapeDtypeStruct((B, VOCAB), jnp.float32),
        compiler_params=pltpu.CompilerParams(
            dimension_semantics=("arbitrary",)),
    )(hid, W2, b2r, shift)

    return out

# --- scband reference (transcript-rebuilt; emitter-appended) ---
"""Pipeline reference for scband-word2-vec-model-549755814232 (READ-ONLY COPY).

The authoritative reference and input builder live on the scoring server;
editing this copy changes nothing except your own understanding.
"""

import jax, jax.numpy as jnp
import numpy as np

VOCAB = 100000
EMBD = 64
HIDDEN = 128
B = 1024
L = 20

def setup_inputs(seed: int = 0) -> dict:
    key = jax.random.key(seed)
    k_idx, k_emb, k_w1, k_b1, k_w2, k_b2 = jax.random.split(key, 6)
    inputs = jax.random.randint(k_idx, (B, L), 0, VOCAB, dtype=jnp.int64 if jax.config.jax_enable_x64 else jnp.int32)
    emb = jax.random.normal(k_emb, (VOCAB, EMBD), dtype=jnp.float32) * 0.02
    W1 = jax.random.normal(k_w1, (HIDDEN, EMBD), dtype=jnp.float32) * (1.0 / np.sqrt(EMBD))
    b1 = jax.random.normal(k_b1, (HIDDEN,), dtype=jnp.float32) * 0.01
    W2 = jax.random.normal(k_w2, (VOCAB, HIDDEN), dtype=jnp.float32) * (1.0 / np.sqrt(HIDDEN))
    b2 = jax.random.normal(k_b2, (VOCAB,), dtype=jnp.float32) * 0.01
    return {"inputs": inputs, "emb": emb, "W1": W1, "b1": b1, "W2": W2, "b2": b2}

def reference(inputs, emb, W1, b1, W2, b2):
    # embedded = self.embeddings(inputs).mean(dim=1)
    embedded = jnp.take(emb, inputs, axis=0).mean(axis=1)  # [B, EMBD]
    # hid = self.linear1(embedded)  (note: dropout is defined but never applied in forward)
    hid = embedded @ W1.T + b1  # [B, HIDDEN]
    # out = self.linear2(hid)
    out = hid @ W2.T + b2  # [B, VOCAB]
    return jax.nn.log_softmax(out, axis=1)

if __name__ == "__main__":
    import jax
    _d = setup_inputs()
    print(jax.jit(kernel)(*tuple(_d.values())))

</pallas_src>

<mosaic_0001>
#map = affine_map<(d0, d1) -> (0)>
#map1 = affine_map<(d0, d1) -> (0, 0)>
module attributes {stable_mosaic.version = 14 : i64} {
  func.func @k(%arg0: i32, %arg1: i32, %arg2: memref<20480xi32, #tpu.memory_space<hbm>>, %arg3: memref<100000x64xf32, #tpu.memory_space<hbm>>, %arg4: memref<1024x64xf32, #tpu.memory_space<hbm>>, %arg5: memref<640xi32, #tpu.memory_space<vmem>>, %arg6: memref<640x64xf32, #tpu.memory_space<vmem>>, %arg7: memref<32x64xf32, #tpu.memory_space<vmem>>, %arg8: memref<!tpu.dma_semaphore, #tpu.memory_space<semaphore_mem>>) attributes {dimension_semantics = [#tpu.dimension_semantics<core_parallel>, #tpu.dimension_semantics<subcore_parallel>], iteration_bounds = array<i64: 2, 16>, scalar_prefetch = 0 : i64, scratch_operands = 4 : i64, tpu.core_type = #tpu.core_type<sc_vector_subcore>, window_params = [{transform_indices = #map}, {transform_indices = #map1}, {transform_indices = #map1}]} {
    %mul3A = arith.constant 2 : i32
    %mul3A_0 = arith.muli %arg1, %mul3A : i32
    %add3A = arith.addi %mul3A_0, %arg0 : i32
    %mul3A_1 = arith.constant 640 : i32
    %mul3A_2 = arith.muli %add3A, %mul3A_1 : i32
    "tpu.region"() ({
      %run_scoped3A = tpu.sem_alloc : memref<!tpu.dma_semaphore, #tpu.memory_space<semaphore_mem>>
      %dma_start3A_89 = tpu.memref_slice %arg2[%mul3A_2] : memref<20480xi32, #tpu.memory_space<hbm>> -> memref<640xi32, #tpu.memory_space<hbm>>
      %dma_start3A_90 = tpu.memref_slice %arg2[%mul3A_2] : memref<20480xi32, #tpu.memory_space<hbm>> -> memref<640xi32, #tpu.memory_space<hbm>>
      tpu.enqueue_dma source(%dma_start3A_90 : memref<640xi32, #tpu.memory_space<hbm>>) target(%arg5 : memref<640xi32, #tpu.memory_space<vmem>>) target_semaphore(%run_scoped3A : memref<!tpu.dma_semaphore, #tpu.memory_space<semaphore_mem>>)
      %dma_wait3A_91 = tpu.memref_slice %arg2[%mul3A_2] : memref<20480xi32, #tpu.memory_space<hbm>> -> memref<640xi32, #tpu.memory_space<hbm>>
      %dma_wait3A_92 = tpu.memref_slice %arg2[%mul3A_2] : memref<20480xi32, #tpu.memory_space<hbm>> -> memref<640xi32, #tpu.memory_space<hbm>>
      tpu.wait_dma2 semaphore(%run_scoped3A : memref<!tpu.dma_semaphore, #tpu.memory_space<semaphore_mem>>) src(%dma_wait3A_92 : memref<640xi32, #tpu.memory_space<hbm>>) dst(%arg5 : memref<640xi32, #tpu.memory_space<vmem>>)
      tpu.yield
    }) : () -> ()
    %dma_start3A = arith.constant 0 : i32
    %dma_start3A_3 = arith.constant 0 : i32
    %dma_start3A_4 = tpu.memref_slice %arg6[%dma_start3A, %dma_start3A_3] : memref<640x64xf32, #tpu.memory_space<vmem>> -> memref<128x64xf32, #tpu.memory_space<vmem>>
    %dma_start3A_5 = arith.constant 0 : i32
    %dma_start3A_6 = tpu.memref_slice %arg5[%dma_start3A_5] : memref<640xi32, #tpu.memory_space<vmem>> -> memref<128xi32, #tpu.memory_space<vmem>>
    %dma_start3A_7 = arith.constant 0 : i32
    %dma_start3A_8 = arith.constant 0 : i32
    %dma_start3A_9 = tpu.memref_slice %arg3[%dma_start3A_7, %dma_start3A_8] : memref<100000x64xf32, #tpu.memory_space<hbm>> -> memref<100000x64xf32, #tpu.memory_space<hbm>>
    tpu.enqueue_indirect_dma source(%dma_start3A_9 : memref<100000x64xf32, #tpu.memory_space<hbm>>) target(%dma_start3A_4 : memref<128x64xf32, #tpu.memory_space<vmem>>) offsets(%dma_start3A_6 : memref<128xi32, #tpu.memory_space<vmem>>) semaphore(%arg8 : memref<!tpu.dma_semaphore, #tpu.memory_space<semaphore_mem>>)
    %dma_start3A_10 = arith.constant 128 : i32
    %dma_start3A_11 = arith.constant 0 : i32
    %dma_start3A_12 = tpu.memref_slice %arg6[%dma_start3A_10, %dma_start3A_11] : memref<640x64xf32, #tpu.memory_space<vmem>> -> memref<128x64xf32, #tpu.memory_space<vmem>>
    %dma_start3A_13 = arith.constant 128 : i32
    %dma_start3A_14 = tpu.memref_slice %arg5[%dma_start3A_13] : memref<640xi32, #tpu.memory_space<vmem>> -> memref<128xi32, #tpu.memory_space<vmem>>
    %dma_start3A_15 = arith.constant 0 : i32
    %dma_start3A_16 = arith.constant 0 : i32
    %dma_start3A_17 = tpu.memref_slice %arg3[%dma_start3A_15, %dma_start3A_16] : memref<100000x64xf32, #tpu.memory_space<hbm>> -> memref<100000x64xf32, #tpu.memory_space<hbm>>
    tpu.enqueue_indirect_dma source(%dma_start3A_17 : memref<100000x64xf32, #tpu.memory_space<hbm>>) target(%dma_start3A_12 : memref<128x64xf32, #tpu.memory_space<vmem>>) offsets(%dma_start3A_14 : memref<128xi32, #tpu.memory_space<vmem>>) semaphore(%arg8 : memref<!tpu.dma_semaphore, #tpu.memory_space<semaphore_mem>>)
    %dma_start3A_18 = arith.constant 256 : i32
    %dma_start3A_19 = arith.constant 0 : i32
    %dma_start3A_20 = tpu.memref_slice %arg6[%dma_start3A_18, %dma_start3A_19] : memref<640x64xf32, #tpu.memory_space<vmem>> -> memref<128x64xf32, #tpu.memory_space<vmem>>
    %dma_start3A_21 = arith.constant 256 : i32
    %dma_start3A_22 = tpu.memref_slice %arg5[%dma_start3A_21] : memref<640xi32, #tpu.memory_space<vmem>> -> memref<128xi32, #tpu.memory_space<vmem>>
    %dma_start3A_23 = arith.constant 0 : i32
    %dma_start3A_24 = arith.constant 0 : i32
    %dma_start3A_25 = tpu.memref_slice %arg3[%dma_start3A_23, %dma_start3A_24] : memref<100000x64xf32, #tpu.memory_space<hbm>> -> memref<100000x64xf32, #tpu.memory_space<hbm>>
    tpu.enqueue_indirect_dma source(%dma_start3A_25 : memref<100000x64xf32, #tpu.memory_space<hbm>>) target(%dma_start3A_20 : memref<128x64xf32, #tpu.memory_space<vmem>>) offsets(%dma_start3A_22 : memref<128xi32, #tpu.memory_space<vmem>>) semaphore(%arg8 : memref<!tpu.dma_semaphore, #tpu.memory_space<semaphore_mem>>)
    %dma_start3A_26 = arith.constant 384 : i32
    %dma_start3A_27 = arith.constant 0 : i32
    %dma_start3A_28 = tpu.memref_slice %arg6[%dma_start3A_26, %dma_start3A_27] : memref<640x64xf32, #tpu.memory_space<vmem>> -> memref<128x64xf32, #tpu.memory_space<vmem>>
    %dma_start3A_29 = arith.constant 384 : i32
    %dma_start3A_30 = tpu.memref_slice %arg5[%dma_start3A_29] : memref<640xi32, #tpu.memory_space<vmem>> -> memref<128xi32, #tpu.memory_space<vmem>>
    %dma_start3A_31 = arith.constant 0 : i32
    %dma_start3A_32 = arith.constant 0 : i32
    %dma_start3A_33 = tpu.memref_slice %arg3[%dma_start3A_31, %dma_start3A_32] : memref<100000x64xf32, #tpu.memory_space<hbm>> -> memref<100000x64xf32, #tpu.memory_space<hbm>>
    tpu.enqueue_indirect_dma source(%dma_start3A_33 : memref<100000x64xf32, #tpu.memory_space<hbm>>) target(%dma_start3A_28 : memref<128x64xf32, #tpu.memory_space<vmem>>) offsets(%dma_start3A_30 : memref<128xi32, #tpu.memory_space<vmem>>) semaphore(%arg8 : memref<!tpu.dma_semaphore, #tpu.memory_space<semaphore_mem>>)
    %dma_start3A_34 = arith.constant 512 : i32
    %dma_start3A_35 = arith.constant 0 : i32
    %dma_start3A_36 = tpu.memref_slice %arg6[%dma_start3A_34, %dma_start3A_35] : memref<640x64xf32, #tpu.memory_space<vmem>> -> memref<128x64xf32, #tpu.memory_space<vmem>>
    %dma_start3A_37 = arith.constant 512 : i32
    %dma_start3A_38 = tpu.memref_slice %arg5[%dma_start3A_37] : memref<640xi32, #tpu.memory_space<vmem>> -> memref<128xi32, #tpu.memory_space<vmem>>
    %dma_start3A_39 = arith.constant 0 : i32
    %dma_start3A_40 = arith.constant 0 : i32
    %dma_start3A_41 = tpu.memref_slice %arg3[%dma_start3A_39, %dma_start3A_40] : memref<100000x64xf32, #tpu.memory_space<hbm>> -> memref<100000x64xf32, #tpu.memory_space<hbm>>
    tpu.enqueue_indirect_dma source(%dma_start3A_41 : memref<100000x64xf32, #tpu.memory_space<hbm>>) target(%dma_start3A_36 : memref<128x64xf32, #tpu.memory_space<vmem>>) offsets(%dma_start3A_38 : memref<128xi32, #tpu.memory_space<vmem>>) semaphore(%arg8 : memref<!tpu.dma_semaphore, #tpu.memory_space<semaphore_mem>>)
    %dma_wait3A = arith.constant 0 : i32
    %dma_wait3A_42 = arith.constant 0 : i32
    %dma_wait3A_43 = tpu.memref_slice %arg6[%dma_wait3A, %dma_wait3A_42] : memref<640x64xf32, #tpu.memory_space<vmem>> -> memref<128x64xf32, #tpu.memory_space<vmem>>
    %dma_wait3A_44 = arith.constant 0 : i32
    %dma_wait3A_45 = tpu.memref_slice %arg5[%dma_wait3A_44] : memref<640xi32, #tpu.memory_space<vmem>> -> memref<128xi32, #tpu.memory_space<vmem>>
    %dma_wait3A_46 = arith.constant 0 : i32
    %dma_wait3A_47 = arith.constant 0 : i32
    %dma_wait3A_48 = tpu.memref_slice %arg3[%dma_wait3A_46, %dma_wait3A_47] : memref<100000x64xf32, #tpu.memory_space<hbm>> -> memref<100000x64xf32, #tpu.memory_space<hbm>>
    tpu.wait_indirect_dma semaphore(%arg8 : memref<!tpu.dma_semaphore, #tpu.memory_space<semaphore_mem>>) src(%dma_wait3A_48 : memref<100000x64xf32, #tpu.memory_space<hbm>>) dst(%dma_wait3A_43 : memref<128x64xf32, #tpu.memory_space<vmem>>)
    %dma_wait3A_49 = arith.constant 128 : i32
    %dma_wait3A_50 = arith.constant 0 : i32
    %dma_wait3A_51 = tpu.memref_slice %arg6[%dma_wait3A_49, %dma_wait3A_50] : memref<640x64xf32, #tpu.memory_space<vmem>> -> memref<128x64xf32, #tpu.memory_space<vmem>>
    %dma_wait3A_52 = arith.constant 128 : i32
    %dma_wait3A_53 = tpu.memref_slice %arg5[%dma_wait3A_52] : memref<640xi32, #tpu.memory_space<vmem>> -> memref<128xi32, #tpu.memory_space<vmem>>
    %dma_wait3A_54 = arith.constant 0 : i32
    %dma_wait3A_55 = arith.constant 0 : i32
    %dma_wait3A_56 = tpu.memref_slice %arg3[%dma_wait3A_54, %dma_wait3A_55] : memref<100000x64xf32, #tpu.memory_space<hbm>> -> memref<100000x64xf32, #tpu.memory_space<hbm>>
    tpu.wait_indirect_dma semaphore(%arg8 : memref<!tpu.dma_semaphore, #tpu.memory_space<semaphore_mem>>) src(%dma_wait3A_56 : memref<100000x64xf32, #tpu.memory_space<hbm>>) dst(%dma_wait3A_51 : memref<128x64xf32, #tpu.memory_space<vmem>>)
    %dma_wait3A_57 = arith.constant 256 : i32
    %dma_wait3A_58 = arith.constant 0 : i32
    %dma_wait3A_59 = tpu.memref_slice %arg6[%dma_wait3A_57, %dma_wait3A_58] : memref<640x64xf32, #tpu.memory_space<vmem>> -> memref<128x64xf32, #tpu.memory_space<vmem>>
    %dma_wait3A_60 = arith.constant 256 : i32
    %dma_wait3A_61 = tpu.memref_slice %arg5[%dma_wait3A_60] : memref<640xi32, #tpu.memory_space<vmem>> -> memref<128xi32, #tpu.memory_space<vmem>>
    %dma_wait3A_62 = arith.constant 0 : i32
    %dma_wait3A_63 = arith.constant 0 : i32
    %dma_wait3A_64 = tpu.memref_slice %arg3[%dma_wait3A_62, %dma_wait3A_63] : memref<100000x64xf32, #tpu.memory_space<hbm>> -> memref<100000x64xf32, #tpu.memory_space<hbm>>
    tpu.wait_indirect_dma semaphore(%arg8 : memref<!tpu.dma_semaphore, #tpu.memory_space<semaphore_mem>>) src(%dma_wait3A_64 : memref<100000x64xf32, #tpu.memory_space<hbm>>) dst(%dma_wait3A_59 : memref<128x64xf32, #tpu.memory_space<vmem>>)
    %dma_wait3A_65 = arith.constant 384 : i32
    %dma_wait3A_66 = arith.constant 0 : i32
    %dma_wait3A_67 = tpu.memref_slice %arg6[%dma_wait3A_65, %dma_wait3A_66] : memref<640x64xf32, #tpu.memory_space<vmem>> -> memref<128x64xf32, #tpu.memory_space<vmem>>
    %dma_wait3A_68 = arith.constant 384 : i32
    %dma_wait3A_69 = tpu.memref_slice %arg5[%dma_wait3A_68] : memref<640xi32, #tpu.memory_space<vmem>> -> memref<128xi32, #tpu.memory_space<vmem>>
    %dma_wait3A_70 = arith.constant 0 : i32
    %dma_wait3A_71 = arith.constant 0 : i32
    %dma_wait3A_72 = tpu.memref_slice %arg3[%dma_wait3A_70, %dma_wait3A_71] : memref<100000x64xf32, #tpu.memory_space<hbm>> -> memref<100000x64xf32, #tpu.memory_space<hbm>>
    tpu.wait_indirect_dma semaphore(%arg8 : memref<!tpu.dma_semaphore, #tpu.memory_space<semaphore_mem>>) src(%dma_wait3A_72 : memref<100000x64xf32, #tpu.memory_space<hbm>>) dst(%dma_wait3A_67 : memref<128x64xf32, #tpu.memory_space<vmem>>)
    %dma_wait3A_73 = arith.constant 512 : i32
    %dma_wait3A_74 = arith.constant 0 : i32
    %dma_wait3A_75 = tpu.memref_slice %arg6[%dma_wait3A_73, %dma_wait3A_74] : memref<640x64xf32, #tpu.memory_space<vmem>> -> memref<128x64xf32, #tpu.memory_space<vmem>>
    %dma_wait3A_76 = arith.constant 512 : i32
    %dma_wait3A_77 = tpu.memref_slice %arg5[%dma_wait3A_76] : memref<640xi32, #tpu.memory_space<vmem>> -> memref<128xi32, #tpu.memory_space<vmem>>
    %dma_wait3A_78 = arith.constant 0 : i32
    %dma_wait3A_79 = arith.constant 0 : i32
    %dma_wait3A_80 = tpu.memref_slice %arg3[%dma_wait3A_78, %dma_wait3A_79] : memref<100000x64xf32, #tpu.memory_space<hbm>> -> memref<100000x64xf32, #tpu.memory_space<hbm>>
    tpu.wait_indirect_dma semaphore(%arg8 : memref<!tpu.dma_semaphore, #tpu.memory_space<semaphore_mem>>) src(%dma_wait3A_80 : memref<100000x64xf32, #tpu.memory_space<hbm>>) dst(%dma_wait3A_75 : memref<128x64xf32, #tpu.memory_space<vmem>>)
    %scan3A = arith.constant 0 : i32
    %scan3A_81 = arith.constant 5.000000e-02 : f32
    %scan3A_82 = arith.constant 0 : i32
    %scan3A_83 = arith.constant 32 : i32
    %scan3A_84 = arith.addi %scan3A_82, %scan3A_83 : i32
    %scan3A_85 = arith.constant 1 : i32
    scf.for %scan3A_89 = %scan3A_82 to %scan3A_84 step %scan3A_85  : i32 {
      %mul3A_90 = arith.constant 20 : i32
      %mul3A_91 = arith.muli %scan3A_89, %mul3A_90 : i32
      %broadcast_in_dim3A = arith.constant 0.000000e+00 : f32
      %broadcast_in_dim3A_92 = vector.broadcast %broadcast_in_dim3A : f32 to vector<16xf32>
      %broadcast_in_dim3A_93 = arith.constant 0.000000e+00 : f32
      %broadcast_in_dim3A_94 = vector.broadcast %broadcast_in_dim3A_93 : f32 to vector<16xf32>
      %broadcast_in_dim3A_95 = arith.constant 0.000000e+00 : f32
      %broadcast_in_dim3A_96 = vector.broadcast %broadcast_in_dim3A_95 : f32 to vector<16xf32>
      %broadcast_in_dim3A_97 = arith.constant 0.000000e+00 : f32
      %broadcast_in_dim3A_98 = vector.broadcast %broadcast_in_dim3A_97 : f32 to vector<16xf32>
      %scan3A_99 = arith.constant 0 : i32
      %scan3A_100 = arith.constant 20 : i32
      %scan3A_101 = arith.addi %scan3A_99, %scan3A_100 : i32
      %scan3A_102 = arith.constant 1 : i32
      %scan3A_103:4 = scf.for %scan3A_132 = %scan3A_99 to %scan3A_101 step %scan3A_102 iter_args(%scan3A_133 = %broadcast_in_dim3A_92, %scan3A_134 = %broadcast_in_dim3A_94, %scan3A_135 = %broadcast_in_dim3A_96, %scan3A_136 = %broadcast_in_dim3A_98) -> (vector<16xf32>, vector<16xf32>, vector<16xf32>, vector<16xf32>)  : i32 {
        %add3A_137 = arith.addi %mul3A_91, %scan3A_132 : i32
        %get3A = arith.index_cast %add3A_137 : i32 to index
        %get3A_138 = arith.constant 0 : index
        %get3A_139 = tpu.vector_load %arg6[%get3A, %get3A_138] {strides = array<i32>} : memref<640x64xf32, #tpu.memory_space<vmem>>, vector<1x16xf32>,
        %get3A_140 = vector.shape_cast %get3A_139 : vector<1x16xf32> to vector<16xf32>
        %add3A_141 = arith.addf %scan3A_133, %get3A_140 : vector<16xf32>
        %get3A_142 = arith.index_cast %add3A_137 : i32 to index
        %get3A_143 = arith.constant 16 : index
        %get3A_144 = tpu.vector_load %arg6[%get3A_142, %get3A_143] {strides = array<i32>} : memref<640x64xf32, #tpu.memory_space<vmem>>, vector<1x16xf32>,
        %get3A_145 = vector.shape_cast %get3A_144 : vector<1x16xf32> to vector<16xf32>
        %add3A_146 = arith.addf %scan3A_134, %get3A_145 : vector<16xf32>
        %get3A_147 = arith.index_cast %add3A_137 : i32 to index
        %get3A_148 = arith.constant 32 : index
        %get3A_149 = tpu.vector_load %arg6[%get3A_147, %get3A_148] {strides = array<i32>} : memref<640x64xf32, #tpu.memory_space<vmem>>, vector<1x16xf32>,
        %get3A_150 = vector.shape_cast %get3A_149 : vector<1x16xf32> to vector<16xf32>
        %add3A_151 = arith.addf %scan3A_135, %get3A_150 : vector<16xf32>
        %get3A_152 = arith.index_cast %add3A_137 : i32 to index
        %get3A_153 = arith.constant 48 : index
        %get3A_154 = tpu.vector_load %arg6[%get3A_152, %get3A_153] {strides = array<i32>} : memref<640x64xf32, #tpu.memory_space<vmem>>, vector<1x16xf32>,
        %get3A_155 = vector.shape_cast %get3A_154 : vector<1x16xf32> to vector<16xf32>
        %add3A_156 = arith.addf %scan3A_136, %get3A_155 : vector<16xf32>
        scf.yield %add3A_141, %add3A_146, %add3A_151, %add3A_156 : vector<16xf32>, vector<16xf32>, vector<16xf32>, vector<16xf32>
      }
      %scan3A_104 = arith.constant 20 : i32
      %mul3A_105 = vector.broadcast %scan3A_81 : f32 to vector<16xf32>
      %mul3A_106 = arith.mulf %scan3A_103#0, %mul3A_105 : vector<16xf32>
      %swap3A = arith.index_cast %scan3A_89 : i32 to index
      %swap3A_107 = arith.constant 0 : index
      %swap3A_108 = tpu.vector_load %arg7[%swap3A, %swap3A_107] {strides = array<i32>} : memref<32x64xf32, #tpu.memory_space<vmem>>, vector<1x16xf32>,
      %swap3A_109 = vector.shape_cast %swap3A_108 : vector<1x16xf32> to vector<16xf32>
      %swap3A_110 = vector.shape_cast %mul3A_106 : vector<16xf32> to vector<1x16xf32>
      tpu.vector_store %arg7[%swap3A, %swap3A_107], %swap3A_110 {strides = array<i32>} : memref<32x64xf32, #tpu.memory_space<vmem>>, vector<1x16xf32>,
      %mul3A_111 = vector.broadcast %scan3A_81 : f32 to vector<16xf32>
      %mul3A_112 = arith.mulf %scan3A_103#1, %mul3A_111 : vector<16xf32>
      %swap3A_113 = arith.index_cast %scan3A_89 : i32 to index
      %swap3A_114 = arith.constant 16 : index
      %swap3A_115 = tpu.vector_load %arg7[%swap3A_113, %swap3A_114] {strides = array<i32>} : memref<32x64xf32, #tpu.memory_space<vmem>>, vector<1x16xf32>,
      %swap3A_116 = vector.shape_cast %swap3A_115 : vector<1x16xf32> to vector<16xf32>
      %swap3A_117 = vector.shape_cast %mul3A_112 : vector<16xf32> to vector<1x16xf32>
      tpu.vector_store %arg7[%swap3A_113, %swap3A_114], %swap3A_117 {strides = array<i32>} : memref<32x64xf32, #tpu.memory_space<vmem>>, vector<1x16xf32>,
      %mul3A_118 = vector.broadcast %scan3A_81 : f32 to vector<16xf32>
      %mul3A_119 = arith.mulf %scan3A_103#2, %mul3A_118 : vector<16xf32>
      %swap3A_120 = arith.index_cast %scan3A_89 : i32 to index
      %swap3A_121 = arith.constant 32 : index
      %swap3A_122 = tpu.vector_load %arg7[%swap3A_120, %swap3A_121] {strides = array<i32>} : memref<32x64xf32, #tpu.memory_space<vmem>>, vector<1x16xf32>,
      %swap3A_123 = vector.shape_cast %swap3A_122 : vector<1x16xf32> to vector<16xf32>
      %swap3A_124 = vector.shape_cast %mul3A_119 : vector<16xf32> to vector<1x16xf32>
      tpu.vector_store %arg7[%swap3A_120, %swap3A_121], %swap3A_124 {strides = array<i32>} : memref<32x64xf32, #tpu.memory_space<vmem>>, vector<1x16xf32>,
      %mul3A_125 = vector.broadcast %scan3A_81 : f32 to vector<16xf32>
      %mul3A_126 = arith.mulf %scan3A_103#3, %mul3A_125 : vector<16xf32>
      %swap3A_127 = arith.index_cast %scan3A_89 : i32 to index
      %swap3A_128 = arith.constant 48 : index
      %swap3A_129 = tpu.vector_load %arg7[%swap3A_127, %swap3A_128] {strides = array<i32>} : memref<32x64xf32, #tpu.memory_space<vmem>>, vector<1x16xf32>,
      %swap3A_130 = vector.shape_cast %swap3A_129 : vector<1x16xf32> to vector<16xf32>
      %swap3A_131 = vector.shape_cast %mul3A_126 : vector<16xf32> to vector<1x16xf32>
      tpu.vector_store %arg7[%swap3A_127, %swap3A_128], %swap3A_131 {strides = array<i32>} : memref<32x64xf32, #tpu.memory_space<vmem>>, vector<1x16xf32>,
    }
    %scan3A_86 = arith.constant 32 : i32
    %mul3A_87 = arith.constant 32 : i32
    %mul3A_88 = arith.muli %add3A, %mul3A_87 : i32
    "tpu.region"() ({
      %run_scoped3A = tpu.sem_alloc : memref<!tpu.dma_semaphore, #tpu.memory_space<semaphore_mem>>
      %dma_start3A_89 = arith.constant 0 : i32
      %dma_start3A_90 = tpu.memref_slice %arg4[%mul3A_88, %dma_start3A_89] : memref<1024x64xf32, #tpu.memory_space<hbm>> -> memref<32x64xf32, #tpu.memory_space<hbm>>
      %dma_start3A_91 = arith.constant 0 : i32
      %dma_start3A_92 = tpu.memref_slice %arg4[%mul3A_88, %dma_start3A_91] : memref<1024x64xf32, #tpu.memory_space<hbm>> -> memref<32x64xf32, #tpu.memory_space<hbm>>
      tpu.enqueue_dma source(%arg7 : memref<32x64xf32, #tpu.memory_space<vmem>>) target(%dma_start3A_92 : memref<32x64xf32, #tpu.memory_space<hbm>>) target_semaphore(%run_scoped3A : memref<!tpu.dma_semaphore, #tpu.memory_space<semaphore_mem>>)
      %dma_wait3A_93 = arith.constant 0 : i32
      %dma_wait3A_94 = tpu.memref_slice %arg4[%mul3A_88, %dma_wait3A_93] : memref<1024x64xf32, #tpu.memory_space<hbm>> -> memref<32x64xf32, #tpu.memory_space<hbm>>
      %dma_wait3A_95 = arith.constant 0 : i32
      %dma_wait3A_96 = tpu.memref_slice %arg4[%mul3A_88, %dma_wait3A_95] : memref<1024x64xf32, #tpu.memory_space<hbm>> -> memref<32x64xf32, #tpu.memory_space<hbm>>
      tpu.wait_dma2 semaphore(%run_scoped3A : memref<!tpu.dma_semaphore, #tpu.memory_space<semaphore_mem>>) src(%arg7 : memref<32x64xf32, #tpu.memory_space<vmem>>) dst(%dma_wait3A_96 : memref<32x64xf32, #tpu.memory_space<hbm>>)
      tpu.yield
    }) : () -> ()
    return
  }
}

module attributes {stable_mosaic.version = 14 : i64} {
  func.func @_stats_body(%arg0: i32, %arg1: memref<1024x64xf32, #tpu.memory_space<vmem>>, %arg2: memref<128x64xf32, #tpu.memory_space<vmem>>, %arg3: memref<1x128xf32, #tpu.memory_space<vmem>>, %arg4: memref<2048x128xf32, #tpu.memory_space<vmem>>, %arg5: memref<1x2048xf32, #tpu.memory_space<vmem>>, %arg6: memref<1024x128xf32, #tpu.memory_space<vmem>>, %arg7: memref<1024x1xf32, #tpu.memory_space<vmem>>, %arg8: memref<1024x128xbf16, #tpu.memory_space<vmem>>, %arg9: memref<1024x128xbf16, #tpu.memory_space<vmem>>) attributes {dimension_semantics = [#tpu.dimension_semantics<arbitrary>], iteration_bounds = array<i64: 49>, scalar_prefetch = 0 : i64, scratch_operands = 2 : i64, tpu.core_type = #tpu.core_type<tc>, window_params = [{pipeline_mode = #tpu.pipeline_mode<synchronous>, transform_indices = @transform_0, window_bounds = array<i64: 1024, 64>}, {pipeline_mode = #tpu.pipeline_mode<synchronous>, transform_indices = @transform_1, window_bounds = array<i64: 128, 64>}, {pipeline_mode = #tpu.pipeline_mode<synchronous>, transform_indices = @transform_2, window_bounds = array<i64: 1, 128>}, {transform_indices = @transform_3, window_bounds = array<i64: 2048, 128>}, {transform_indices = @transform_4, window_bounds = array<i64: 1, 2048>}, {pipeline_mode = #tpu.pipeline_mode<synchronous>, transform_indices = @transform_5, window_bounds = array<i64: 1024, 128>}, {pipeline_mode = #tpu.pipeline_mode<synchronous>, transform_indices = @transform_6, window_bounds = array<i64: 1024, 1>}]} {
    %eq3A = arith.constant 0 : i32
    %eq3A_0 = arith.cmpi eq, %arg0, %eq3A : i32
    %convert_element_type3A = arith.extui %eq3A_0 : i1 to i32
    %cond3A = arith.constant 0 : i32
    %cond3A_1 = arith.cmpi ne, %convert_element_type3A, %cond3A : i32
    scf.if %cond3A_1 {
      %get3A_134 = arith.constant 0 : index
      %get3A_135 = arith.constant 0 : index
      %get3A_136 = vector.load %arg1[%get3A_134, %get3A_135] : memref<1024x64xf32, #tpu.memory_space<vmem>>, vector<1024x64xf32>
      %get3A_137 = arith.constant 0 : index
      %get3A_138 = arith.constant 0 : index
      %get3A_139 = vector.load %arg2[%get3A_137, %get3A_138] : memref<128x64xf32, #tpu.memory_space<vmem>>, vector<128x64xf32>
      %dot_general3A_140 = arith.constant dense<0.000000e+00> : vector<1024x128xf32>
      %dot_general3A_141 = tpu.matmul %get3A_136, %get3A_139, %dot_general3A_140 {dimension_numbers = #tpu.dot_dimension_numbers<[1], [1], [0], [0], [0, 0, 1, 0], [], []>, transpose_lhs_hint = false} : vector<1024x64xf32>, vector<128x64xf32>, vector<1024x128xf32> -> vector<1024x128xf32>
      %get3A_142 = arith.constant 0 : index
      %get3A_143 = arith.constant 0 : index
      %get3A_144 = vector.load %arg3[%get3A_142, %get3A_143] : memref<1x128xf32, #tpu.memory_space<vmem>>, vector<1x128xf32>
      %add3A_145 = vector.broadcast %get3A_144 : vector<1x128xf32> to vector<1024x128xf32>
      %add3A_146 = arith.addf %dot_general3A_141, %add3A_145 : vector<1024x128xf32>
      %swap3A_147 = arith.constant 0 : index
      %swap3A_148 = arith.constant 0 : index
      %swap3A_149 = vector.load %arg6[%swap3A_147, %swap3A_148] : memref<1024x128xf32, #tpu.memory_space<vmem>>, vector<1024x128xf32>
      tpu.vector_store %arg6[%swap3A_147, %swap3A_148], %add3A_146 {strides = array<i32>} : memref<1024x128xf32, #tpu.memory_space<vmem>>, vector<1024x128xf32>,
      %broadcast_in_dim3A_150 = arith.constant 0xFF80 : bf16
      %broadcast_in_dim3A_151 = vector.broadcast %broadcast_in_dim3A_150 : bf16 to vector<1024x128xbf16>
      %swap3A_152 = arith.constant 0 : index
      %swap3A_153 = arith.constant 0 : index
      %swap3A_154 = vector.load %arg8[%swap3A_152, %swap3A_153] : memref<1024x128xbf16, #tpu.memory_space<vmem>>, vector<1024x128xbf16>
      tpu.vector_store %arg8[%swap3A_152, %swap3A_153], %broadcast_in_dim3A_151 {strides = array<i32>} : memref<1024x128xbf16, #tpu.memory_space<vmem>>, vector<1024x128xbf16>,
      %broadcast_in_dim3A_155 = arith.constant 0.000000e+00 : bf16
      %broadcast_in_dim3A_156 = vector.broadcast %broadcast_in_dim3A_155 : bf16 to vector<1024x128xbf16>
      %swap3A_157 = arith.constant 0 : index
      %swap3A_158 = arith.constant 0 : index
      %swap3A_159 = vector.load %arg9[%swap3A_157, %swap3A_158] : memref<1024x128xbf16, #tpu.memory_space<vmem>>, vector<1024x128xbf16>
      tpu.vector_store %arg9[%swap3A_157, %swap3A_158], %broadcast_in_dim3A_156 {strides = array<i32>} : memref<1024x128xbf16, #tpu.memory_space<vmem>>, vector<1024x128xbf16>,
    } else {
    }
    %get3A = arith.constant 0 : index
    %get3A_2 = arith.constant 0 : index
    %get3A_3 = vector.load %arg6[%get3A, %get3A_2] : memref<1024x128xf32, #tpu.memory_space<vmem>>, vector<1024x128xf32>
    %convert_element_type3A_4 = arith.truncf %get3A_3 : vector<1024x128xf32> to vector<1024x128xbf16>
    %get3A_5 = arith.constant 0 : index
    %get3A_6 = arith.constant 0 : index
    %get3A_7 = vector.load %arg4[%get3A_5, %get3A_6] : memref<2048x128xf32, #tpu.memory_space<vmem>>, vector<2048x128xf32>
    %convert_element_type3A_8 = arith.truncf %get3A_7 : vector<2048x128xf32> to vector<2048x128xbf16>
    %dot_general3A = arith.constant dense<0.000000e+00> : vector<1024x2048xf32>
    %dot_general3A_9 = tpu.matmul %convert_element_type3A_4, %convert_element_type3A_8, %dot_general3A {dimension_numbers = #tpu.dot_dimension_numbers<[1], [1], [0], [0], [0, 0, 1, 0], [], []>, transpose_lhs_hint = false} : vector<1024x128xbf16>, vector<2048x128xbf16>, vector<1024x2048xf32> -> vector<1024x2048xf32>
    %convert_element_type3A_10 = arith.truncf %dot_general3A_9 : vector<1024x2048xf32> to vector<1024x2048xbf16>
    %get3A_11 = arith.constant 0 : index
    %get3A_12 = arith.constant 0 : index
    %get3A_13 = vector.load %arg5[%get3A_11, %get3A_12] : memref<1x2048xf32, #tpu.memory_space<vmem>>, vector<1x2048xf32>
    %convert_element_type3A_14 = arith.truncf %get3A_13 : vector<1x2048xf32> to vector<1x2048xbf16>
    %add3A = vector.broadcast %convert_element_type3A_14 : vector<1x2048xbf16> to vector<1024x2048xbf16>
    %add3A_15 = arith.addf %convert_element_type3A_10, %add3A : vector<1024x2048xbf16>
    %mul3A = arith.constant 2048 : i32
    %mul3A_16 = arith.muli %arg0, %mul3A : i32
    %iota3A = tpu.iota {dimensions = array<i32: 1>} : vector<1x2048xi32>
    %add3A_17 = vector.broadcast %mul3A_16 : i32 to vector<1x2048xi32>
    %add3A_18 = arith.addi %add3A_17, %iota3A : vector<1x2048xi32>
    %lt3A = arith.constant 100000 : i32
    %lt3A_19 = vector.broadcast %lt3A : i32 to vector<1x2048xi32>
    %lt3A_20 = arith.cmpi slt, %add3A_18, %lt3A_19 : vector<1x2048xi32>
    %jit3A = arith.constant 0xFF80 : bf16
    %broadcast_in_dim3A = vector.shape_cast %lt3A_20 : vector<1x2048xi1> to vector<1x2048xi1>
    %broadcast_in_dim3A_21 = vector.broadcast %broadcast_in_dim3A : vector<1x2048xi1> to vector<1024x2048xi1>
    %broadcast_in_dim3A_22 = vector.broadcast %jit3A : bf16 to vector<1024x2048xbf16>
    %select_n3A = arith.select %broadcast_in_dim3A_21, %add3A_15, %broadcast_in_dim3A_22 : vector<1024x2048xi1>, vector<1024x2048xbf16>
    %get3A_23 = arith.constant 0 : index
    %get3A_24 = arith.constant 0 : index
    %get3A_25 = vector.load %arg8[%get3A_23, %get3A_24] : memref<1024x128xbf16, #tpu.memory_space<vmem>>, vector<1024x128xbf16>
    %slice3A = vector.extract_strided_slice %select_n3A {offsets = [0, 0], sizes = [1024, 128], strides = [1, 1]} : vector<1024x2048xbf16> to vector<1024x128xbf16>
    %max3A = arith.maximumf %get3A_25, %slice3A : vector<1024x128xbf16>
    %slice3A_26 = vector.extract_strided_slice %select_n3A {offsets = [0, 128], sizes = [1024, 128], strides = [1, 1]} : vector<1024x2048xbf16> to vector<1024x128xbf16>
    %max3A_27 = arith.maximumf %max3A, %slice3A_26 : vector<1024x128xbf16>
    %slice3A_28 = vector.extract_strided_slice %select_n3A {offsets = [0, 256], sizes = [1024, 128], strides = [1, 1]} : vector<1024x2048xbf16> to vector<1024x128xbf16>
    %max3A_29 = arith.maximumf %max3A_27, %slice3A_28 : vector<1024x128xbf16>
    %slice3A_30 = vector.extract_strided_slice %select_n3A {offsets = [0, 384], sizes = [1024, 128], strides = [1, 1]} : vector<1024x2048xbf16> to vector<1024x128xbf16>
    %max3A_31 = arith.maximumf %max3A_29, %slice3A_30 : vector<1024x128xbf16>
    %slice3A_32 = vector.extract_strided_slice %select_n3A {offsets = [0, 512], sizes = [1024, 128], strides = [1, 1]} : vector<1024x2048xbf16> to vector<1024x128xbf16>
    %max3A_33 = arith.maximumf %max3A_31, %slice3A_32 : vector<1024x128xbf16>
    %slice3A_34 = vector.extract_strided_slice %select_n3A {offsets = [0, 640], sizes = [1024, 128], strides = [1, 1]} : vector<1024x2048xbf16> to vector<1024x128xbf16>
    %max3A_35 = arith.maximumf %max3A_33, %slice3A_34 : vector<1024x128xbf16>
    %slice3A_36 = vector.extract_strided_slice %select_n3A {offsets = [0, 768], sizes = [1024, 128], strides = [1, 1]} : vector<1024x2048xbf16> to vector<1024x128xbf16>
    %max3A_37 = arith.maximumf %max3A_35, %slice3A_36 : vector<1024x128xbf16>
    %slice3A_38 = vector.extract_strided_slice %select_n3A {offsets = [0, 896], sizes = [1024, 128], strides = [1, 1]} : vector<1024x2048xbf16> to vector<1024x128xbf16>
    %max3A_39 = arith.maximumf %max3A_37, %slice3A_38 : vector<1024x128xbf16>
    %slice3A_40 = vector.extract_strided_slice %select_n3A {offsets = [0, 1024], sizes = [1024, 128], strides = [1, 1]} : vector<1024x2048xbf16> to vector<1024x128xbf16>
    %max3A_41 = arith.maximumf %max3A_39, %slice3A_40 : vector<1024x128xbf16>
    %slice3A_42 = vector.extract_strided_slice %select_n3A {offsets = [0, 1152], sizes = [1024, 128], strides = [1, 1]} : vector<1024x2048xbf16> to vector<1024x128xbf16>
    %max3A_43 = arith.maximumf %max3A_41, %slice3A_42 : vector<1024x128xbf16>
    %slice3A_44 = vector.extract_strided_slice %select_n3A {offsets = [0, 1280], sizes = [1024, 128], strides = [1, 1]} : vector<1024x2048xbf16> to vector<1024x128xbf16>
    %max3A_45 = arith.maximumf %max3A_43, %slice3A_44 : vector<1024x128xbf16>
    %slice3A_46 = vector.extract_strided_slice %select_n3A {offsets = [0, 1408], sizes = [1024, 128], strides = [1, 1]} : vector<1024x2048xbf16> to vector<1024x128xbf16>
    %max3A_47 = arith.maximumf %max3A_45, %slice3A_46 : vector<1024x128xbf16>
    %slice3A_48 = vector.extract_strided_slice %select_n3A {offsets = [0, 1536], sizes = [1024, 128], strides = [1, 1]} : vector<1024x2048xbf16> to vector<1024x128xbf16>
    %max3A_49 = arith.maximumf %max3A_47, %slice3A_48 : vector<1024x128xbf16>
    %slice3A_50 = vector.extract_strided_slice %select_n3A {offsets = [0, 1664], sizes = [1024, 128], strides = [1, 1]} : vector<1024x2048xbf16> to vector<1024x128xbf16>
    %max3A_51 = arith.maximumf %max3A_49, %slice3A_50 : vector<1024x128xbf16>
    %slice3A_52 = vector.extract_strided_slice %select_n3A {offsets = [0, 1792], sizes = [1024, 128], strides = [1, 1]} : vector<1024x2048xbf16> to vector<1024x128xbf16>
    %max3A_53 = arith.maximumf %max3A_51, %slice3A_52 : vector<1024x128xbf16>
    %slice3A_54 = vector.extract_strided_slice %select_n3A {offsets = [0, 1920], sizes = [1024, 128], strides = [1, 1]} : vector<1024x2048xbf16> to vector<1024x128xbf16>
    %max3A_55 = arith.maximumf %max3A_53, %slice3A_54 : vector<1024x128xbf16>
    %get3A_56 = arith.constant 0 : index
    %get3A_57 = arith.constant 0 : index
    %get3A_58 = vector.load %arg9[%get3A_56, %get3A_57] : memref<1024x128xbf16, #tpu.memory_space<vmem>>, vector<1024x128xbf16>
    %sub3A = arith.subf %get3A_25, %max3A_55 : vector<1024x128xbf16>
    %exp3A = math.exp %sub3A : vector<1024x128xbf16>
    %mul3A_59 = arith.mulf %get3A_58, %exp3A : vector<1024x128xbf16>
    %slice3A_60 = vector.extract_strided_slice %select_n3A {offsets = [0, 0], sizes = [1024, 128], strides = [1, 1]} : vector<1024x2048xbf16> to vector<1024x128xbf16>
    %sub3A_61 = arith.subf %slice3A_60, %max3A_55 : vector<1024x128xbf16>
    %exp3A_62 = math.exp %sub3A_61 : vector<1024x128xbf16>
    %add3A_63 = arith.addf %mul3A_59, %exp3A_62 : vector<1024x128xbf16>
    %slice3A_64 = vector.extract_strided_slice %select_n3A {offsets = [0, 128], sizes = [1024, 128], strides = [1, 1]} : vector<1024x2048xbf16> to vector<1024x128xbf16>
    %sub3A_65 = arith.subf %slice3A_64, %max3A_55 : vector<1024x128xbf16>
    %exp3A_66 = math.exp %sub3A_65 : vector<1024x128xbf16>
    %add3A_67 = arith.addf %add3A_63, %exp3A_66 : vector<1024x128xbf16>
    %slice3A_68 = vector.extract_strided_slice %select_n3A {offsets = [0, 256], sizes = [1024, 128], strides = [1, 1]} : vector<1024x2048xbf16> to vector<1024x128xbf16>
    %sub3A_69 = arith.subf %slice3A_68, %max3A_55 : vector<1024x128xbf16>
    %exp3A_70 = math.exp %sub3A_69 : vector<1024x128xbf16>
    %add3A_71 = arith.addf %add3A_67, %exp3A_70 : vector<1024x128xbf16>
    %slice3A_72 = vector.extract_strided_slice %select_n3A {offsets = [0, 384], sizes = [1024, 128], strides = [1, 1]} : vector<1024x2048xbf16> to vector<1024x128xbf16>
    %sub3A_73 = arith.subf %slice3A_72, %max3A_55 : vector<1024x128xbf16>
    %exp3A_74 = math.exp %sub3A_73 : vector<1024x128xbf16>
    %add3A_75 = arith.addf %add3A_71, %exp3A_74 : vector<1024x128xbf16>
    %slice3A_76 = vector.extract_strided_slice %select_n3A {offsets = [0, 512], sizes = [1024, 128], strides = [1, 1]} : vector<1024x2048xbf16> to vector<1024x128xbf16>
    %sub3A_77 = arith.subf %slice3A_76, %max3A_55 : vector<1024x128xbf16>
    %exp3A_78 = math.exp %sub3A_77 : vector<1024x128xbf16>
    %add3A_79 = arith.addf %add3A_75, %exp3A_78 : vector<1024x128xbf16>
    %slice3A_80 = vector.extract_strided_slice %select_n3A {offsets = [0, 640], sizes = [1024, 128], strides = [1, 1]} : vector<1024x2048xbf16> to vector<1024x128xbf16>
    %sub3A_81 = arith.subf %slice3A_80, %max3A_55 : vector<1024x128xbf16>
    %exp3A_82 = math.exp %sub3A_81 : vector<1024x128xbf16>
    %add3A_83 = arith.addf %add3A_79, %exp3A_82 : vector<1024x128xbf16>
    %slice3A_84 = vector.extract_strided_slice %select_n3A {offsets = [0, 768], sizes = [1024, 128], strides = [1, 1]} : vector<1024x2048xbf16> to vector<1024x128xbf16>
    %sub3A_85 = arith.subf %slice3A_84, %max3A_55 : vector<1024x128xbf16>
    %exp3A_86 = math.exp %sub3A_85 : vector<1024x128xbf16>
    %add3A_87 = arith.addf %add3A_83, %exp3A_86 : vector<1024x128xbf16>
    %slice3A_88 = vector.extract_strided_slice %select_n3A {offsets = [0, 896], sizes = [1024, 128], strides = [1, 1]} : vector<1024x2048xbf16> to vector<1024x128xbf16>
    %sub3A_89 = arith.subf %slice3A_88, %max3A_55 : vector<1024x128xbf16>
    %exp3A_90 = math.exp %sub3A_89 : vector<1024x128xbf16>
    %add3A_91 = arith.addf %add3A_87, %exp3A_90 : vector<1024x128xbf16>
    %slice3A_92 = vector.extract_strided_slice %select_n3A {offsets = [0, 1024], sizes = [1024, 128], strides = [1, 1]} : vector<1024x2048xbf16> to vector<1024x128xbf16>
    %sub3A_93 = arith.subf %slice3A_92, %max3A_55 : vector<1024x128xbf16>
    %exp3A_94 = math.exp %sub3A_93 : vector<1024x128xbf16>
    %add3A_95 = arith.addf %add3A_91, %exp3A_94 : vector<1024x128xbf16>
    %slice3A_96 = vector.extract_strided_slice %select_n3A {offsets = [0, 1152], sizes = [1024, 128], strides = [1, 1]} : vector<1024x2048xbf16> to vector<1024x128xbf16>
    %sub3A_97 = arith.subf %slice3A_96, %max3A_55 : vector<1024x128xbf16>
    %exp3A_98 = math.exp %sub3A_97 : vector<1024x128xbf16>
    %add3A_99 = arith.addf %add3A_95, %exp3A_98 : vector<1024x128xbf16>
    %slice3A_100 = vector.extract_strided_slice %select_n3A {offsets = [0, 1280], sizes = [1024, 128], strides = [1, 1]} : vector<1024x2048xbf16> to vector<1024x128xbf16>
    %sub3A_101 = arith.subf %slice3A_100, %max3A_55 : vector<1024x128xbf16>
    %exp3A_102 = math.exp %sub3A_101 : vector<1024x128xbf16>
    %add3A_103 = arith.addf %add3A_99, %exp3A_102 : vector<1024x128xbf16>
    %slice3A_104 = vector.extract_strided_slice %select_n3A {offsets = [0, 1408], sizes = [1024, 128], strides = [1, 1]} : vector<1024x2048xbf16> to vector<1024x128xbf16>
    %sub3A_105 = arith.subf %slice3A_104, %max3A_55 : vector<1024x128xbf16>
    %exp3A_106 = math.exp %sub3A_105 : vector<1024x128xbf16>
    %add3A_107 = arith.addf %add3A_103, %exp3A_106 : vector<1024x128xbf16>
    %slice3A_108 = vector.extract_strided_slice %select_n3A {offsets = [0, 1536], sizes = [1024, 128], strides = [1, 1]} : vector<1024x2048xbf16> to vector<1024x128xbf16>
    %sub3A_109 = arith.subf %slice3A_108, %max3A_55 : vector<1024x128xbf16>
    %exp3A_110 = math.exp %sub3A_109 : vector<1024x128xbf16>
    %add3A_111 = arith.addf %add3A_107, %exp3A_110 : vector<1024x128xbf16>
    %slice3A_112 = vector.extract_strided_slice %select_n3A {offsets = [0, 1664], sizes = [1024, 128], strides = [1, 1]} : vector<1024x2048xbf16> to vector<1024x128xbf16>
    %sub3A_113 = arith.subf %slice3A_112, %max3A_55 : vector<1024x128xbf16>
    %exp3A_114 = math.exp %sub3A_113 : vector<1024x128xbf16>
    %add3A_115 = arith.addf %add3A_111, %exp3A_114 : vector<1024x128xbf16>
    %slice3A_116 = vector.extract_strided_slice %select_n3A {offsets = [0, 1792], sizes = [1024, 128], strides = [1, 1]} : vector<1024x2048xbf16> to vector<1024x128xbf16>
    %sub3A_117 = arith.subf %slice3A_116, %max3A_55 : vector<1024x128xbf16>
    %exp3A_118 = math.exp %sub3A_117 : vector<1024x128xbf16>
    %add3A_119 = arith.addf %add3A_115, %exp3A_118 : vector<1024x128xbf16>
    %slice3A_120 = vector.extract_strided_slice %select_n3A {offsets = [0, 1920], sizes = [1024, 128], strides = [1, 1]} : vector<1024x2048xbf16> to vector<1024x128xbf16>
    %sub3A_121 = arith.subf %slice3A_120, %max3A_55 : vector<1024x128xbf16>
    %exp3A_122 = math.exp %sub3A_121 : vector<1024x128xbf16>
    %add3A_123 = arith.addf %add3A_119, %exp3A_122 : vector<1024x128xbf16>
    %swap3A = arith.constant 0 : index
    %swap3A_124 = arith.constant 0 : index
    %swap3A_125 = vector.load %arg9[%swap3A, %swap3A_124] : memref<1024x128xbf16, #tpu.memory_space<vmem>>, vector<1024x128xbf16>
    tpu.vector_store %arg9[%swap3A, %swap3A_124], %add3A_123 {strides = array<i32>} : memref<1024x128xbf16, #tpu.memory_space<vmem>>, vector<1024x128xbf16>,
    %swap3A_126 = arith.constant 0 : index
    %swap3A_127 = arith.constant 0 : index
    %swap3A_128 = vector.load %arg8[%swap3A_126, %swap3A_127] : memref<1024x128xbf16, #tpu.memory_space<vmem>>, vector<1024x128xbf16>
    tpu.vector_store %arg8[%swap3A_126, %swap3A_127], %max3A_55 {strides = array<i32>} : memref<1024x128xbf16, #tpu.memory_space<vmem>>, vector<1024x128xbf16>,
    %eq3A_129 = arith.constant 48 : i32
    %eq3A_130 = arith.cmpi eq, %arg0, %eq3A_129 : i32
    %convert_element_type3A_131 = arith.extui %eq3A_130 : i1 to i32
    %cond3A_132 = arith.constant 0 : i32
    %cond3A_133 = arith.cmpi ne, %convert_element_type3A_131, %cond3A_132 : i32
    scf.if %cond3A_133 {
      %get3A_134 = arith.constant 0 : index
      %get3A_135 = arith.constant 0 : index
      %get3A_136 = vector.load %arg8[%get3A_134, %get3A_135] : memref<1024x128xbf16, #tpu.memory_space<vmem>>, vector<1024x128xbf16>
      %convert_element_type3A_137 = arith.extf %get3A_136 : vector<1024x128xbf16> to vector<1024x128xf32>
      %get3A_138 = arith.constant 0 : index
      %get3A_139 = arith.constant 0 : index
      %get3A_140 = vector.load %arg9[%get3A_138, %get3A_139] : memref<1024x128xbf16, #tpu.memory_space<vmem>>, vector<1024x128xbf16>
      %convert_element_type3A_141 = arith.extf %get3A_140 : vector<1024x128xbf16> to vector<1024x128xf32>
      %reduce_max3A = arith.constant dense<0xFF800000> : vector<1024xf32>
      %reduce_max3A_142 = vector.multi_reduction <maximumf>, %convert_element_type3A_137, %reduce_max3A [1] : vector<1024x128xf32> to vector<1024xf32>
      %broadcast_in_dim3A_143 = vector.shape_cast %reduce_max3A_142 : vector<1024xf32> to vector<1024x1xf32>
      %sub3A_144 = vector.broadcast %broadcast_in_dim3A_143 : vector<1024x1xf32> to vector<1024x128xf32>
      %sub3A_145 = arith.subf %convert_element_type3A_137, %sub3A_144 : vector<1024x128xf32>
      %exp3A_146 = math.exp %sub3A_145 : vector<1024x128xf32>
      %mul3A_147 = arith.mulf %convert_element_type3A_141, %exp3A_146 : vector<1024x128xf32>
      %reduce_sum3A = arith.constant dense<0.000000e+00> : vector<1024xf32>
      %reduce_sum3A_148 = vector.multi_reduction <add>, %mul3A_147, %reduce_sum3A [1] : vector<1024x128xf32> to vector<1024xf32>
      %broadcast_in_dim3A_149 = vector.shape_cast %reduce_sum3A_148 : vector<1024xf32> to vector<1024x1xf32>
      %log3A = math.log %broadcast_in_dim3A_149 : vector<1024x1xf32>
      %add3A_150 = arith.addf %broadcast_in_dim3A_143, %log3A : vector<1024x1xf32>
      %swap3A_151 = arith.constant 0 : index
      %swap3A_152 = arith.constant 0 : index
      %swap3A_153 = vector.load %arg7[%swap3A_151, %swap3A_152] : memref<1024x1xf32, #tpu.memory_space<vmem>>, vector<1024x1xf32>
      tpu.vector_store %arg7[%swap3A_151, %swap3A_152], %add3A_150 {strides = array<i32>} : memref<1024x1xf32, #tpu.memory_space<vmem>>, vector<1024x1xf32>,
    } else {
    }
    return
  }
  func.func @transform_0(%arg0: i32) -> (i32, i32) {
    %c0_i32 = arith.constant 0 : i32
    %c0_i32_0 = arith.constant 0 : i32
    %c0_i32_1 = arith.constant 0 : i32
    return %c0_i32, %c0_i32_0 : i32, i32
  }
  func.func @transform_1(%arg0: i32) -> (i32, i32) {
    %c0_i32 = arith.constant 0 : i32
    %c0_i32_0 = arith.constant 0 : i32
    %c0_i32_1 = arith.constant 0 : i32
    return %c0_i32, %c0_i32_0 : i32, i32
  }
  func.func @transform_2(%arg0: i32) -> (i32, i32) {
    %c0_i32 = arith.constant 0 : i32
    %c0_i32_0 = arith.constant 0 : i32
    %c0_i32_1 = arith.constant 0 : i32
    return %c0_i32, %c0_i32_0 : i32, i32
  }
  func.func @transform_3(%arg0: i32) -> (i32, i32) {
    %c0_i32 = arith.constant 0 : i32
    %c0_i32_0 = arith.constant 0 : i32
    return %arg0, %c0_i32 : i32, i32
  }
  func.func @transform_4(%arg0: i32) -> (i32, i32) {
    %c0_i32 = arith.constant 0 : i32
    %c0_i32_0 = arith.constant 0 : i32
    return %c0_i32, %arg0 : i32, i32
  }
  func.func @transform_5(%arg0: i32) -> (i32, i32) {
    %c0_i32 = arith.constant 0 : i32
    %c0_i32_0 = arith.constant 0 : i32
    %c0_i32_1 = arith.constant 0 : i32
    return %c0_i32, %c0_i32_0 : i32, i32
  }
  func.func @transform_6(%arg0: i32) -> (i32, i32) {
    %c0_i32 = arith.constant 0 : i32
    %c0_i32_0 = arith.constant 0 : i32
    %c0_i32_1 = arith.constant 0 : i32
    return %c0_i32, %c0_i32_0 : i32, i32
  }
}

module attributes {stable_mosaic.version = 14 : i64} {
  func.func @_out_body(%arg0: i32, %arg1: memref<1024x128xf32, #tpu.memory_space<vmem>>, %arg2: memref<2048x128xf32, #tpu.memory_space<vmem>>, %arg3: memref<1x2048xf32, #tpu.memory_space<vmem>>, %arg4: memref<1024x1xf32, #tpu.memory_space<vmem>>, %arg5: memref<1024x2048xf32, #tpu.memory_space<vmem>>) attributes {dimension_semantics = [#tpu.dimension_semantics<arbitrary>], iteration_bounds = array<i64: 49>, scalar_prefetch = 0 : i64, scratch_operands = 0 : i64, tpu.core_type = #tpu.core_type<tc>, window_params = [{pipeline_mode = #tpu.pipeline_mode<synchronous>, transform_indices = @transform_0, window_bounds = array<i64: 1024, 128>}, {transform_indices = @transform_1, window_bounds = array<i64: 2048, 128>}, {transform_indices = @transform_2, window_bounds = array<i64: 1, 2048>}, {pipeline_mode = #tpu.pipeline_mode<synchronous>, transform_indices = @transform_3, window_bounds = array<i64: 1024, 1>}, {transform_indices = @transform_4, window_bounds = array<i64: 1024, 2048>}]} {
    %get3A = arith.constant 0 : index
    %get3A_0 = arith.constant 0 : index
    %get3A_1 = vector.load %arg1[%get3A, %get3A_0] : memref<1024x128xf32, #tpu.memory_space<vmem>>, vector<1024x128xf32>
    %convert_element_type3A = arith.truncf %get3A_1 : vector<1024x128xf32> to vector<1024x128xbf16>
    %get3A_2 = arith.constant 0 : index
    %get3A_3 = arith.constant 0 : index
    %get3A_4 = vector.load %arg2[%get3A_2, %get3A_3] : memref<2048x128xf32, #tpu.memory_space<vmem>>, vector<2048x128xf32>
    %convert_element_type3A_5 = arith.truncf %get3A_4 : vector<2048x128xf32> to vector<2048x128xbf16>
    %dot_general3A = arith.constant dense<0.000000e+00> : vector<1024x2048xf32>
    %dot_general3A_6 = tpu.matmul %convert_element_type3A, %convert_element_type3A_5, %dot_general3A {dimension_numbers = #tpu.dot_dimension_numbers<[1], [1], [0], [0], [0, 0, 1, 0], [], []>, transpose_lhs_hint = false} : vector<1024x128xbf16>, vector<2048x128xbf16>, vector<1024x2048xf32> -> vector<1024x2048xf32>
    %get3A_7 = arith.constant 0 : index
    %get3A_8 = arith.constant 0 : index
    %get3A_9 = vector.load %arg3[%get3A_7, %get3A_8] : memref<1x2048xf32, #tpu.memory_space<vmem>>, vector<1x2048xf32>
    %add3A = vector.broadcast %get3A_9 : vector<1x2048xf32> to vector<1024x2048xf32>
    %add3A_10 = arith.addf %dot_general3A_6, %add3A : vector<1024x2048xf32>
    %get3A_11 = arith.constant 0 : index
    %get3A_12 = arith.constant 0 : index
    %get3A_13 = vector.load %arg4[%get3A_11, %get3A_12] : memref<1024x1xf32, #tpu.memory_space<vmem>>, vector<1024x1xf32>
    %sub3A = vector.broadcast %get3A_13 : vector<1024x1xf32> to vector<1024x2048xf32>
    %sub3A_14 = arith.subf %add3A_10, %sub3A : vector<1024x2048xf32>
    %swap3A = arith.constant 0 : index
    %swap3A_15 = arith.constant 0 : index
    %swap3A_16 = vector.load %arg5[%swap3A, %swap3A_15] : memref<1024x2048xf32, #tpu.memory_space<vmem>>, vector<1024x2048xf32>
    tpu.vector_store %arg5[%swap3A, %swap3A_15], %sub3A_14 {strides = array<i32>} : memref<1024x2048xf32, #tpu.memory_space<vmem>>, vector<1024x2048xf32>,
    return
  }
  func.func @transform_0(%arg0: i32) -> (i32, i32) {
    %c0_i32 = arith.constant 0 : i32
    %c0_i32_0 = arith.constant 0 : i32
    %c0_i32_1 = arith.constant 0 : i32
    return %c0_i32, %c0_i32_0 : i32, i32
  }
  func.func @transform_1(%arg0: i32) -> (i32, i32) {
    %c0_i32 = arith.constant 0 : i32
    %c0_i32_0 = arith.constant 0 : i32
    return %arg0, %c0_i32 : i32, i32
  }
  func.func @transform_2(%arg0: i32) -> (i32, i32) {
    %c0_i32 = arith.constant 0 : i32
    %c0_i32_0 = arith.constant 0 : i32
    return %c0_i32, %arg0 : i32, i32
  }
  func.func @transform_3(%arg0: i32) -> (i32, i32) {
    %c0_i32 = arith.constant 0 : i32
    %c0_i32_0 = arith.constant 0 : i32
    %c0_i32_1 = arith.constant 0 : i32
    return %c0_i32, %c0_i32_0 : i32, i32
  }
  func.func @transform_4(%arg0: i32) -> (i32, i32) {
    %c0_i32 = arith.constant 0 : i32
    %c0_i32_0 = arith.constant 0 : i32
    return %c0_i32, %arg0 : i32, i32
  }
}

</mosaic_0001>

<sc_bundles>
// kernel: kernel.5.cloned.1.call-start
scs
__scs_entry_jumppad:
0x0: {  	(pc) =	sbr.rel $0x88, $3  }
0x1: {  	(tag) =	ssettag $0x0;
	lr =	simm.s32 $0x1  }
0x2: {  	[smem:$0x3F9B] =	sst lr;
	_ =	strace $0xD0000000  }
0x3: {  	_ = 	snop  }
0x4: {  	_ = 	snop  }
0x5: {  	_ = 	snop  }
0x6: {  	_ = 	snop  }
0x7: {  	_ = 	snop  }
__scs_overlays_trampoline_lowered:
0x8: {  	[smem:$0x3FAA] =	sst s0  }
0x9: {  	[smem:$0x3FAB] =	sst s1  }
0xa: {  	[smem:$0x3FAC] =	sst s2  }
0xb: {  	[smem:$0x3FAD] =	sst s3  }
0xc: {  	[smem:$0x3FAE] =	sst s4  }
0xd: {  	[smem:$0x3FAF] =	sst s5  }
0xe: {  	[smem:$0x3FB0] =	sst s6  }
0xf: {  	[smem:$0x3FB1] =	sst s7  }
0x10: {  	[smem:$0x3FB2] =	sst s8  }
0x11: {  	[smem:$0x3FB3] =	sst s9;
	s0 =	simm.s32 @!p0 $0x0  }
0x12: {  	s1 =	sld [smem:$0x3F99];
	s0 =	simm.s32 @p0 $0x1  }
0x13: {  	[smem:$0x3FB4] =	sst s0;
	s0 =	simm.s32 @!p1 $0x0  }
0x14: {  	s2 =	sld [smem:$0x3F98];
	s0 =	simm.s32 @p1 $0x1  }
0x15: {  	[smem:$0x3FB5] =	sst s0;
	s0 =	simm.s32 @!p2 $0x0  }
0x16: {  	s3 =	sld [smem:$0x3FDB];
	s0 =	simm.s32 @p2 $0x1  }
0x17: {  	s4 =	simm.s32 $0x1BF5;
	[smem:$0x3FB7] =	sst s0  }
0x18: {  	s0 =	sld [smem:$0x3F9A];
	_ =	swait.ge [sflag:s4], $0x0  }
0x19: {  	s7 =	sld [smem:$0x3F9B]  }
0x1a: {  	s8 =	sadd.s32 $0xFFFFE003, lr  }
0x1b: {  	s9 =	sadd.s32 $0xFFFFFEF7, lr;
	s5 =	simm.s32 $0xFFFFFFFF;
	p2 =	slt.u32 s8, $0xFFFFF086  }
0x1c: {  	p1 =	slt.u32 s9, $0xF7A;
	s5 =	simm.s32 @!p2 $0x0  }
0x1d: {  	s5 =	simm.s32 @p1 $0x1;
	p0 =	seq.s32 s7, s2  }
0x1e: {  	s7 =	smul.u32 @!p0 $0xF7A, s2;
	p2 =	seq.s32 @!p0 s5, $0x0  }
0x1f: {  	s9 =	smul.u32 $0xF7A, s1;
	s8 =	simm.s32 @!p0 $0x1BF5;
	p2 =	por !p2, p0  }
0x20: {  	[sflag:s8] =	ssyncset.s32 @!p0 $0xFFFFF086;
	s6 =	sadd.s32 @!p0 s3, s7;
	s7 =	simm.s32 @!p0 $0x108  }
0x21: {  	s3 =	sadd.s32 s3, s9;
	s6 =	sadd.s32 @!p0 $0x88, s6;
	s7 =	simm.s32 @p2 $0x1082  }
0x22: {  	[simem:s7], [sflag:s8] =	dma.local @!p0 [hbm:s6], $0xF7A  }
0x23: {  	s9 =	sor.u32 $0xD0000000, s2;
	s6 =	simm.s32 $0x108;
	_ =	swait.ge @!p0 [sflag:s8], $0x0  }
0x24: {  	s3 =	sadd.s32 $0x88, s3;
	s6 =	simm.s32 @!p1 $0x1082;
	[sflag:s4] =	ssyncset.s32 $0xFFFFF086  }
0x25: {  	[simem:s6], [sflag:s4] =	dma.local [hbm:s3], $0xF7A  }
0x26: {  	[smem:$0x3F9B] =	sst s1;
	(tag) =	ssettag s2;
	_ =	strace s9  }
0x27: {  	s1 =	sld [smem:$0x3FAB]  }
0x28: {  	s2 =	sld [smem:$0x3FAC]  }
0x29: {  	s4 =	sld [smem:$0x3FAE]  }
0x2a: {  	p0 =	seq.s32 s5, $0x0;
	s5 =	sld [smem:$0x3FAF]  }
0x2b: {  	s6 =	sld [smem:$0x3FB0]  }
0x2c: {  	s7 =	sld [smem:$0x3FB1]  }
0x2d: {  	s3 =	simm.s32 $0x108;
	s8 =	sld [smem:$0x3FB2]  }
0x2e: {  	s3 =	simm.s32 @!p0 $0x1082;
	s9 =	sld [smem:$0x3FB3]  }
0x2f: {  	lr =	sadd.s32 s0, s3;
	s0 =	sld [smem:$0x3FAA]  }
0x30: {  	s3 =	sld [smem:$0x3FAD]  }
0x31: {  	[smem:$0x3FB6] =	sst s10  }
0x32: {  	s10 =	sld [smem:$0x3FB4];
	_ =	sdelay $0x3  }
0x33: {  	p0 =	seq.s32 s10, $0x1;
	s10 =	sld [smem:$0x3FB6];
	_ =	sdelay $0x3  }
0x34: {  	[smem:$0x3FB6] =	sst s10  }
0x35: {  	s10 =	sld [smem:$0x3FB5];
	_ =	sdelay $0x3  }
0x36: {  	p1 =	seq.s32 s10, $0x1;
	s10 =	sld [smem:$0x3FB6];
	_ =	sdelay $0x3  }
0x37: {  	[smem:$0x3FB6] =	sst s10  }
0x38: {  	s10 =	sld [smem:$0x3FB7]  }
0x39: {  	_ = 	snop;
	(pc) =	sbr.ind lr, $3  }
0x3a: {  	_ = 	snop  }
0x3b: {  	_ = 	snop  }
0x3c: {  	p2 =	seq.s32 s10, $0x1;
	s10 =	sld [smem:$0x3FB6]  }
0x3d: {  	_ =	shalt  }
0x3e: {  	_ =	shalt  }
0x3f: {  	_ =	shalt  }
0x40: {  	_ =	shalt  }
0x41: {  	_ =	shalt  }
0x42: {  	_ =	shalt  }
0x43: {  	_ =	shalt  }
0x44: {  	_ =	shalt  }
0x45: {  	_ =	shalt  }
0x46: {  	_ =	shalt  }
0x47: {  	_ =	shalt  }
0x48: {  	_ =	shalt  }
0x49: {  	_ =	shalt  }
0x4a: {  	_ =	shalt  }
0x4b: {  	_ =	shalt  }
0x4c: {  	_ =	shalt  }
0x4d: {  	_ =	shalt  }
0x4e: {  	_ =	shalt  }
0x4f: {  	_ =	shalt  }
0x50: {  	_ =	shalt  }
0x51: {  	_ =	shalt  }
0x52: {  	_ =	shalt  }
0x53: {  	_ =	shalt  }
0x54: {  	_ =	shalt  }
0x55: {  	_ =	shalt  }
0x56: {  	_ =	shalt  }
0x57: {  	_ =	shalt  }
0x58: {  	_ =	shalt  }
0x59: {  	_ =	shalt  }
0x5a: {  	_ =	shalt  }
0x5b: {  	_ =	shalt  }
0x5c: {  	_ =	shalt  }
0x5d: {  	_ =	shalt  }
0x5e: {  	_ =	shalt  }
0x5f: {  	_ =	shalt  }
0x60: {  	_ =	shalt  }
0x61: {  	_ =	shalt  }
0x62: {  	_ =	shalt  }
0x63: {  	_ =	shalt  }
0x64: {  	_ =	shalt  }
0x65: {  	_ =	shalt  }
0x66: {  	_ =	shalt  }
0x67: {  	_ =	shalt  }
0x68: {  	_ =	shalt  }
0x69: {  	_ =	shalt  }
0x6a: {  	_ =	shalt  }
0x6b: {  	_ =	shalt  }
0x6c: {  	_ =	shalt  }
0x6d: {  	_ =	shalt  }
0x6e: {  	_ =	shalt  }
0x6f: {  	_ =	shalt  }
0x70: {  	_ =	shalt  }
0x71: {  	_ =	shalt  }
0x72: {  	_ =	shalt  }
0x73: {  	_ =	shalt  }
0x74: {  	_ =	shalt  }
0x75: {  	_ =	shalt  }
0x76: {  	_ =	shalt  }
0x77: {  	_ =	shalt  }
0x78: {  	_ =	shalt  }
0x79: {  	_ =	shalt  }
0x7a: {  	_ =	shalt  }
0x7b: {  	_ =	shalt  }
0x7c: {  	_ =	shalt  }
0x7d: {  	_ =	shalt  }
0x7e: {  	_ =	shalt  }
0x7f: {  	_ =	shalt  }
0x80: {  	_ =	shalt  }
0x81: {  	_ =	shalt  }
0x82: {  	_ =	shalt  }
0x83: {  	_ =	shalt  }
0x84: {  	_ =	shalt  }
0x85: {  	_ =	shalt  }
0x86: {  	_ =	shalt  }
0x87: {  	_ =	shalt  }
.Lfunc_end0:
.L_simem_size_0:
called_computation_lowered:
.L_overlay_start_0:
0x88: {  	s2 =	sld [smem:$0x3FD9]  }
0x89: {  	s3 =	sld [smem:$0x3FFE];
	_ =	sdelay $0x1  }
0x8a: {  	s1 =	srdreg.scid  }
0x8b: {  	s0 =	sand.u32 $0x1, s1  }
0x8c: {  	s17 =	sshll.u32 s0, $0xA;
	s2 =	sadd.s32 s3, s2  }
0x8d: {  	s2 =	sadd.s32 s2, s17  }
0x8e: {  	[smem:$0x3FC2] =	sst s2  }
0x8f: {  	_ = 	snop  }
0x90: {  	s2 =	sld [smem:$0x3FD0];
	(tm) =	ssettm $0x1  }
0x91: {  	s18 =	sld [smem:$0x3FFB];
	_ =	sdelay $0x3  }
0x92: {  	_ =	strace s18  }
0x93: {  	s3 =	sld [smem:$0x3FFC];
	_ =	sdelay $0x3  }
0x94: {  	_ =	strace s3  }
0x95: {  	s3 =	sld [smem:$0x3FFD];
	_ =	sdelay $0x3  }
0x96: {  	_ =	strace s3  }
0x97: {  	_ =	strace $0x8FFFFFFF  }
0x98: {  	s19 =	sld [smem:$0x3FDB];
	_ =	sdelay $0x1  }
0x99: {  	s4 =	simm.s32 $_scs_section_size  }
0x9a: {  	s5 =	simm.s32 $_size__tile_overlayer_lowered;
	s6 =	simm.s32 $_tile_overlayer_lowered  }
0x9b: {  	s22 =	simm.s32 $0x1BFF;
	s21 =	sshll.u32 s6, $0x1;
	s3 =	sadd.s32 s4, s19  }
0x9c: {  	s7 =	simm.s32 $0x0;
	s20 =	sshll.u32 s5, $0x1;
	s5 =	sadd.s32 s21, s3  }
0x9d: {  	[timem:s7], [sflag:s22] =	dma.local [hbm:s5], s20  }
0x9e: {  	_ =	swait.ge [sflag:s22], s20  }
0x9f: {  	s4 =	ssub.s32 $0x0, s20;
	[sflag:s22] =	ssyncset.done $0x0  }
0xa0: {  	[sflag:s22] =	ssyncadd.s32 s4;
	_ =	sdelay $0x1  }
0xa1: {  	s23 =	simm.s32 $0x1B8B  }
0xa2: {  	_ =	swait.ge [sflag:s23], $0x1  }
0xa3: {  	[sflag:s23] =	ssyncset.done $0x0  }
0xa4: {  	s25 =	simm.s32 $0x1B8E;
	s24 =	sld [smem:$0x3FFE];
	[sflag:s23] =	ssyncadd.s32 $0xFFFFFFFF  }
0xa5: {  	s26 =	simm.s32 $execute0_lowered;
	[smem:$0x3FD2] =	sst s25  }
0xa6: {  	s5 =	sshll.u32 s26, $0x1;
	_ =	strace $0x80000046;
	[dreg:$0x1] =	wrdreg $0xFFFFFFFF  }
0xa7: {  	s28 =	simm.s32 $_size_execute0_lowered;
	s3 =	sadd.s32 s3, s5;
	[dreg:$0x0] =	wrdreg $0x0  }
0xa8: {  	s5 =	sshll.u32 s28, $0x1;
	[dreg:$0x2] =	wrdreg s3  }
0xa9: {  	[dreg:$0x3] =	wrdreg s5  }
0xaa: {  	[dreg:$0x4] =	wrdreg $0xC0  }
0xab: {  	_ =	task [dreg:s7], $0x5FFFF  }
0xac: {  	[dreg:$0x1] =	wrdreg $0xFFFFFFFF  }
0xad: {  	[dreg:$0x0] =	wrdreg $0x60  }
0xae: {  	[dreg:$0x2] =	wrdreg s24  }
0xaf: {  	[dreg:$0x3] =	wrdreg s2  }
0xb0: {  	[dreg:$0x4] =	wrdreg $0x9  }
0xb1: {  	_ =	task.clear_ibuf [dreg:s7], $0x5FFFF;
	_ =	strace $0x90000046  }
0xb2: {  	s29 =	simm.s32 $0x9;
	_ =	strace $0x80000048  }
0xb3: {  	_ =	swait.ge [sflag:s29], $0x1  }
0xb4: {  	[sflag:s29] =	ssyncadd.s32 $0xFFFFFFFF  }
0xb5: {  	_ =	strace $0x90000048  }
0xb6: {  	_ =	sfence  }
0xb7: {  	s30 =	sld [smem:$0x0];
	_ =	sdelay $0x2  }
0xb8: {  	s31 =	sshll.u32 s1, $0xD;
	s1 =	sshrl.u32 s1, $0x2  }
0xb9: {  	s3 =	sand.u32 $0x4000, s31;
	s1 =	sadd.s32 s1, s30  }
0xba: {  	s0 =	sor.u32 s3, s0;
	s1 =	sshll.u32 s1, $0x11  }
0xbb: {  	s0 =	sor.u32 s1, s0  }
0xbc: {  	s0 =	sadd.s32 $0x8F2B, s0  }
0xbd: {  	[sflag:s0] =	ssyncadd.remote.s32 $0x1  }
0xbe: {  	_ =	sfence.sel $0xFFFF  }
0xbf: {  	[dreg:$0x0] =	wrdreg $0xFFFFFFFF;
	(pc) =	sbr.abs _section_cstart, $3  }
0xc0: {  	[dreg:$0x1] =	wrdreg $0xFFFFFFFF  }
0xc1: {  	_ =	task.clear_ibuf [dreg:s7], $0x2FFFF;
	_ =	strace $0x9FFFFFFF  }
0xc2: {  	(tm) =	ssettm $0x7FFFFFFF  }
0xc3: {  	_ =	shalt  }
tec
execute0_lowered:
.L_overlay_start_1:
0x0: {  	(tag) =	ssettag $0x1  }
0x1: {  	s3 =	rddreg [dreg:$0x0];
	s1 =	srdreg.scid  }
0x2: {  	s0 =	stileid.u32;
	s5 =	rddreg [dreg:$0x1]  }
0x3: {  	s2 =	simm.s32 $0x0;
	s9 =	simm.s32 $0x280;
	s10 =	simm.s32 $0x2280  }
0x4: {  	s11 =	simm.s32 $0x100;
	s12 =	simm.s32 $0x4280;
	s13 =	simm.s32 $0x180  }
0x5: {  	s14 =	simm.s32 $0x6280;
	s15 =	simm.s32 $0x200;
	s16 =	simm.s32 $0x8280  }
0x6: {  	s17 =	simm.s32 $0x1;
	s18 =	simm.s32 $0xA280;
	s19 =	simm.s32 $0x0  }
0x7: {  	s4 =	sand.u32 $0x1, s1;
	s6 =	sshll.u32 s0, $0x1;
	s1 =	rddreg [dreg:$0x2]  }
0x8: {  	[smem:$0x7FF] =	sst s2;
	s6 =	sor.u32 s4, s6;
	s4 =	ssub.s32 $0x2, s4  }
0x9: {  	s7 =	smul.u32 $0x50, s6;
	s8 =	sshrl.u32 s4, $0x1;
	s6 =	sshll.u32 s6, $0x8  }
0xa: {  	_ =	strace $0x80000047;
	s8 =	ssub.s32 s4, s8;
	s5 =	sadd.s32 s5, s6  }
0xb: {  	s7 =	sadd.s32 s7, s3;
	s3 =	sadd.s32 $0x1600, s3;
	s6 =	smax.u32 s8, $0x1  }
0xc: {  	s8 =	simm.s32 $0x80;
	s4 =	sadd.s32 $0xC00, s7;
	s7 =	simm.s32 $0x2  }
.LBB2_1:
0xd: {  	[tilespmem:s2], [sflag:$0x2] =	stream.linear.gather [hbm4b:s4+s2], $0x280, $0x38;
	[tilespmem:$0xAA80] =	vst v63  }
0xe: {  	_ =	swait.ge [sflag:s7], $0x280  }
0xf: {  	[sflag:s7] =	ssyncset.done $0x0  }
0x10: {  	[sflag:s7] =	ssyncadd.s32 $0xFFFFFD80  }
0x11: {  	[tilespmem:s9], [sflag:$0x1] =	stream.indirect.gather [hbm4b:s3+s8], $0x40, s2, s8, $0xb8;
	[tilespmem:$0xAA80] =	vst v63  }
0x12: {  	_ = 	snop  }
0x13: {  	[tilespmem:s10], [sflag:$0x1] =	stream.indirect.gather [hbm4b:s3+s8], $0x40, s8, s8, $0xb8;
	[tilespmem:$0xAA80] =	vst v63  }
0x14: {  	_ = 	snop  }
0x15: {  	[tilespmem:s12], [sflag:$0x1] =	stream.indirect.gather [hbm4b:s3+s8], $0x40, s11, s8, $0xb8;
	[tilespmem:$0xAA80] =	vst v63  }
0x16: {  	_ = 	snop  }
0x17: {  	[tilespmem:s14], [sflag:$0x1] =	stream.indirect.gather [hbm4b:s3+s8], $0x40, s13, s8, $0xb8;
	[tilespmem:$0xAA80] =	vst v63  }
0x18: {  	_ = 	snop  }
0x19: {  	[tilespmem:s16], [sflag:$0x1] =	stream.indirect.gather [hbm4b:s3+s8], $0x40, s15, s8, $0xb8;
	[tilespmem:$0xAA80] =	vst v63  }
0x1a: {  	_ =	swait.ge [sflag:s17], $0x2000  }
0x1b: {  	[sflag:s17] =	ssyncset.done $0x0  }
0x1c: {  	[sflag:s17] =	ssyncadd.s32 $0xFFFFE000  }
0x1d: {  	_ =	swait.ge [sflag:s17], $0x2000  }
0x1e: {  	[sflag:s17] =	ssyncset.done $0x0  }
0x1f: {  	[sflag:s17] =	ssyncadd.s32 $0xFFFFE000  }
0x20: {  	_ =	swait.ge [sflag:s17], $0x2000  }
0x21: {  	[sflag:s17] =	ssyncset.done $0x0  }
0x22: {  	[sflag:s17] =	ssyncadd.s32 $0xFFFFE000  }
0x23: {  	_ =	swait.ge [sflag:s17], $0x2000  }
0x24: {  	[sflag:s17] =	ssyncset.done $0x0  }
0x25: {  	[sflag:s17] =	ssyncadd.s32 $0xFFFFE000  }
0x26: {  	_ =	swait.ge [sflag:s17], $0x2000  }
0x27: {  	[sflag:s17] =	ssyncset.done $0x0  }
0x28: {  	s20 =	simm.s32 $0x2A0;
	s21 =	simm.s32 $0x0;
	[sflag:s17] =	ssyncadd.s32 $0xFFFFE000  }
.LBB2_2:
0x29: {  	v2 =	vmov s20;
	_ =	sdelay $0x3  }
0x2a: {  	s23 =	simm.s32 $0x0  }
0x2b: {  	v0 =	vld.idx.msk [tilespmem:v2+s23+$0x10 ss:$0x1], $0xffff  }
0x2c: {  	v3 =	vld.idx.msk [tilespmem:v2+s23+$0xFFFFFFE0 ss:$0x1], $0xffff  }
0x2d: {  	v1 =	vimm.f32 $0.0e+00;
	v4 =	vld.idx.msk [tilespmem:v2+s23+$0xFFFFFFF0 ss:$0x1], $0xffff  }
0x2e: {  	s22 =	simm.s32 $0x100;
	v6 =	vimm.f32 $0.0e+00;
	v7 =	vimm.f32 $0.0e+00;
	v8 =	vimm.f32 $0.0e+00;
	v5 =	vld.idx.msk [tilespmem:v2+s23+$0x0 ss:$0x1], $0xffff  }
.LBB2_3:
0x2f: {  	p0 =	sne.s32 s22, $0x1300  }
.Ltmp0:
0x30: {  	s23 =	sshra.s32 s22, $0x2;
	s22 =	sadd.s32 $0x100, s22;
	(pc) =	sbr.rel @p0 .LBB2_3-.Ltmp0, $4  }
0x31: {  	v1 =	vadd.f32 v0, v1;
	v0 =	vld.idx.msk [tilespmem:v2+s23+$0x10 ss:$0x1], $0xffff  }
0x32: {  	v6 =	vadd.f32 v3, v6;
	v3 =	vld.idx.msk [tilespmem:v2+s23+$0xFFFFFFE0 ss:$0x1], $0xffff  }
0x33: {  	v7 =	vadd.f32 v4, v7;
	v4 =	vld.idx.msk [tilespmem:v2+s23+$0xFFFFFFF0 ss:$0x1], $0xffff  }
0x34: {  	v8 =	vadd.f32 v5, v8;
	v5 =	vld.idx.msk [tilespmem:v2+s23+$0x0 ss:$0x1], $0xffff  }
0x35: {  	_ = 	snop  }
0x36: {  	v0 =	vadd.f32 v0, v1  }
0x37: {  	s22 =	sshll.u32 s21, $0x6;
	s21 =	sadd.s32 $0x1, s21;
	v2 =	vadd.f32 v3, v6  }
0x38: {  	p0 =	sne.s32 s21, $0x20;
	v60 =	vadd.f32 v4, v7;
	v0 =	vmul.f32 $5.000000070e-02, v0  }
.Ltmp1:
0x39: {  	s22 =	sand.u32 $0x3FFFFFC0, s22;
	v61 =	vadd.f32 v5, v8;
	v2 =	vmul.f32 $5.000000070e-02, v2;
	(pc) =	sbr.rel @p0 .LBB2_2-.Ltmp1, $4  }
0x3a: {  	v62 =	vmul.f32 $5.000000070e-02, v60;
	[tilespmem:s22+$0xA2B0] =	vst v0  }
0x3b: {  	[tilespmem:s22+$0xA280] =	vst v2;
	v63 =	vmul.f32 $5.000000070e-02, v61  }
0x3c: {  	[tilespmem:s22+$0xA290] =	vst v62  }
0x3d: {  	s20 =	sadd.s32 $0x500, s20;
	[tilespmem:s22+$0xA2A0] =	vst v63  }
0x3e: {  	s19 =	sadd.s32 $0x1, s19  }
0x3f: {  	p0 =	sne.s32 s19, s6  }
.Ltmp2:
0x40: {  	_ = 	snop;
	(pc) =	sbr.rel @p0 .LBB2_1-.Ltmp2, $4  }
0x41: {  	[hbm4b:s5+s2] =	stream.linear.scatter [tilespmem:s18], [sflag:$0x2], $0x800, $0x38;
	[tilespmem:$0xAA80] =	vst v63  }
0x42: {  	_ =	swait.ge [sflag:s7], $0x800  }
0x43: {  	[sflag:s7] =	ssyncset.done $0x0  }
0x44: {  	[sflag:s7] =	ssyncadd.s32 $0xFFFFF800  }
0x45: {  	_ =	sfence.sel $0x180000  }
0x46: {  	[bflag:$0x0] =	sbarrier.arrive $0xFFFF  }
0x47: {  	p0 =	sne.s32 s0, $0x0;
	_ =	strace $0x90000047  }
0x48: {  	s0 =	sadd.s32 @!p0 $0x100000, s1;
	[bflag:$0x2] =	sbarrier.arrive $0xFFFF  }
0x49: {  	[sflag:s0] =	ssyncadd.tile.s32 @!p0 $0x1;
	_ =	shalt  }
.Lfunc_end2:
_tile_overlayer_lowered:
.L_overlay_start_2:
0x4a: {  	(tag) =	ssettag $0x2  }
0x4b: {  	s0 =	rddreg [dreg:$0x0];
	s2 =	stileid.u32  }
0x4c: {  	s1 =	rddreg [dreg:$0x1];
	p0 =	sne.s32 s2, $0x0  }
0x4d: {  	s3 =	rddreg [dreg:$0x2];
	[bflag:$0x3] =	sbarrier.arrive $0xFFFF;
	s2 =	simm.s32 @!p0 $0x1C02  }
0x4e: {  	[timem:s3], [sflag:s2] =	dma.local @!p0 [hbm:s0], s1  }
0x4f: {  	s0 =	simm.s32 @!p0 $0x2  }
0x50: {  	_ =	swait.ge @!p0 [sflag:s0], s1  }
0x51: {  	s1 =	ssub.s32 @!p0 $0x0, s1;
	[sflag:s0] =	ssyncset.done @!p0 $0x0  }
0x52: {  	[sflag:s0] =	ssyncadd.s32 @!p0 s1  }
0x53: {  	[bflag:$0x3] =	sbarrier.arrive $0xFFFF  }
0x54: {  	_ =	shalt  }

</sc_bundles>
